<compile_context>
chip_gen: v7x
topology: tpu7x:2x2x1
jax: 0.10.2.dev20260603
libtpu: 0.0.44.dev20260713+nightly
codegen_flags: <defaults>
</compile_context>

<pallas_src>
import functools

import jax
import jax.numpy as jnp
from jax import lax
from jax.experimental import pallas as pl
from jax.experimental.pallas import tpu as pltpu
from jax.experimental.pallas import tpu_sc as plsc

N = 4096
D = 64
K1 = 11
PAD = 16
E = N * K1
R = 512
G = N // R
PADIDX = 2 ** 30

NC = 2
NS = 16
NW = NC * NS
ROWS_PER_W = N // NW
CHUNK = ROWS_PER_W * PAD
ECHUNK = ROWS_PER_W * K1
NGATHER = ECHUNK // PAD


def _topk_body(mv_ref, val_ref, idx_ref, normed_ref):
    i = pl.program_id(0)

    @pl.when(i == 0)
    def _():
        mv = mv_ref[:]
        nf = jnp.sqrt(jnp.sum(mv * mv, axis=1, keepdims=True))
        normed_ref[:] = mv / jnp.clip(nf, 1e-6, None)

    normed_full = normed_ref[:]
    normed_rows = normed_ref[pl.ds(i * R, R)]
    sim = lax.dot_general(normed_rows, normed_full,
                          (((1,), (1,)), ((), ())),
                          preferred_element_type=jnp.float32)
    colf = lax.broadcasted_iota(jnp.int32, (R, N), 1).astype(jnp.float32)
    rowv = (lax.broadcasted_iota(jnp.int32, (R, 1), 0) + i * R)
    rowvf = rowv.astype(jnp.float32)
    diag = jnp.sum(normed_rows * normed_rows, axis=1, keepdims=True)
    vals, idxs = [diag], [rowvf]
    sim = jnp.where(colf == rowvf, -jnp.inf, sim)
    for _ in range(K1 - 1):
        m = jnp.max(sim, axis=1, keepdims=True)
        aminf = jnp.min(jnp.where(sim == m, colf, jnp.float32(2 * N)),
                        axis=1, keepdims=True)
        vals.append(m)
        idxs.append(aminf)
        sim = jnp.where(colf == aminf, -jnp.inf, sim)
    vals += [jnp.zeros((R, 1), jnp.float32)] * (PAD - K1)
    idxs += [jnp.full((R, 1), float(PADIDX), jnp.float32)] * (PAD - K1)
    val_ref[:] = jnp.concatenate(vals, axis=1)
    idx_ref[:] = jnp.concatenate(idxs, axis=1).astype(jnp.int32)


_topk = pl.pallas_call(
    _topk_body,
    grid=(G,),
    in_specs=[pl.BlockSpec((N, D), lambda i: (0, 0))],
    out_specs=[pl.BlockSpec((R, PAD), lambda i: (i, 0)),
               pl.BlockSpec((R, PAD), lambda i: (i, 0))],
    out_shape=[jax.ShapeDtypeStruct((N, PAD), jnp.float32),
               jax.ShapeDtypeStruct((N, PAD), jnp.int32)],
    scratch_shapes=[pltpu.VMEM((N, D), jnp.float32)],
)


@functools.lru_cache(maxsize=1)
def _make_sc_finish():
    @functools.partial(
        pl.kernel,
        out_type=[jax.ShapeDtypeStruct((2 * E,), jnp.int32),
                  jax.ShapeDtypeStruct((E,), jnp.float32)],
        mesh=plsc.VectorSubcoreMesh(core_axis_name="c", subcore_axis_name="s"),
        compiler_params=pltpu.CompilerParams(needs_layout_passes=False),
        scratch_types=[pltpu.VMEM((CHUNK,), jnp.int32),
                       pltpu.VMEM((CHUNK,), jnp.float32),
                       pltpu.VMEM((CHUNK,), jnp.int32),
                       pltpu.VMEM((CHUNK,), jnp.float32),
                       pltpu.VMEM((ECHUNK,), jnp.int32),
                       pltpu.VMEM((ECHUNK,), jnp.int32),
                       pltpu.VMEM((ECHUNK,), jnp.int32),
                       pltpu.VMEM((ECHUNK,), jnp.float32)],
    )
    def _sc_finish(idx_hbm, val_hbm, gmap_hbm, rmap_hbm, ei_hbm, ew_hbm,
                   idx_v, val_v, sidx_v, sval_v,
                   gmap_v, rows_v, cols_v, w_v):
        wid = lax.axis_index("s") * NC + lax.axis_index("c")
        base = wid * CHUNK
        ebase = wid * ECHUNK
        pltpu.sync_copy(idx_hbm.at[pl.ds(base, CHUNK)], idx_v)
        pltpu.sync_copy(val_hbm.at[pl.ds(base, CHUNK)], val_v)
        pltpu.sync_copy(gmap_hbm, gmap_v)
        pltpu.sync_copy(rmap_hbm, rows_v)

        def sort_body(r, carry):
            off = pl.multiple_of(r * PAD, PAD)
            k = idx_v[pl.ds(off, PAD)]
            v = val_v[pl.ds(off, PAD)]
            ks, vs = plsc.sort_key_val(k, v)
            sidx_v[pl.ds(off, PAD)] = ks
            sval_v[pl.ds(off, PAD)] = vs
            return carry

        lax.fori_loop(0, ROWS_PER_W, sort_body, 0)

        row0 = (wid * ROWS_PER_W).astype(jnp.int32)

        def gather_body(j, carry):
            off = pl.multiple_of(j * PAD, PAD)
            g = gmap_v[pl.ds(off, PAD)]
            cols_v[pl.ds(off, PAD)] = plsc.load_gather(sidx_v, [g])
            w_v[pl.ds(off, PAD)] = plsc.load_gather(sval_v, [g])
            rows_v[pl.ds(off, PAD)] = rows_v[pl.ds(off, PAD)] + row0
            return carry

        lax.fori_loop(0, NGATHER, gather_body, 0)

        pltpu.sync_copy(rows_v, ei_hbm.at[pl.ds(ebase, ECHUNK)])
        pltpu.sync_copy(cols_v, ei_hbm.at[pl.ds(E + ebase, ECHUNK)])
        pltpu.sync_copy(w_v, ew_hbm.at[pl.ds(ebase, ECHUNK)])

    return _sc_finish


def kernel(memory_value):
    vals, idxs = _topk(memory_value)
    p = jnp.arange(ECHUNK, dtype=jnp.int32)
    gmap = p + (PAD - K1) * (p // K1)
    rmap = p // K1
    ei, ew = _make_sc_finish()(idxs.reshape(-1), vals.reshape(-1), gmap, rmap)
    return ei.reshape(2, E), ew

# --- scband reference (transcript-rebuilt; emitter-appended) ---
"""Pipeline reference for scband-dynamic-concept-graph-builder-21612275433812 (READ-ONLY COPY).

The authoritative reference and input builder live on the scoring server;
editing this copy changes nothing except your own understanding.
"""

import jax, jax.numpy as jnp
import numpy as np

NUM_C = 4096
TOP_K = 10
DIM = 64


def setup_inputs(seed: int = 0) -> dict:
    key = jax.random.key(seed)
    memory_value = jax.random.normal(key, (NUM_C, DIM), dtype=jnp.float32)
    return {"memory_value": memory_value}


def reference(memory_value):
    # normed = memory_value / memory_value.norm(dim=1, keepdim=True).clamp(min=1e-6)
    norm = jnp.linalg.norm(memory_value, axis=1, keepdims=True)
    normed = memory_value / jnp.clip(norm, 1e-6, None)
    # sim_matrix = normed @ normed.T
    sim = jnp.matmul(normed, normed.T)
    # top-(k+1) per row defines the mask; sim_matrix * mask has exactly
    # (top_k+1) nonzeros per row (generic data), so dense_to_sparse is
    # equivalent to gathering the masked entries in row-major / sorted-column order.
    _, topk_idx = jax.lax.top_k(sim, TOP_K + 1)          # [N, k+1]
    cols = jnp.sort(topk_idx, axis=1)                     # dense_to_sparse emits column-sorted order within each row
    rows = jnp.repeat(jnp.arange(NUM_C, dtype=cols.dtype), TOP_K + 1)
    edge_weight = jnp.take_along_axis(sim, cols, axis=1).reshape(-1)
    edge_index = jnp.stack([rows, cols.reshape(-1)], axis=0)
    return edge_index, edge_weight

if __name__ == "__main__":
    import jax
    _d = setup_inputs()
    print(jax.jit(kernel)(*tuple(_d.values())))

</pallas_src>

<mosaic_0001>
#map = affine_map<(d0, d1) -> (0)>
module attributes {stable_mosaic.version = 14 : i64} {
  func.func @_sc_finish(%arg0: i32, %arg1: i32, %arg2: memref<65536xi32, #tpu.memory_space<hbm>>, %arg3: memref<65536xf32, #tpu.memory_space<hbm>>, %arg4: memref<1408xi32, #tpu.memory_space<hbm>>, %arg5: memref<1408xi32, #tpu.memory_space<hbm>>, %arg6: memref<90112xi32, #tpu.memory_space<hbm>>, %arg7: memref<45056xf32, #tpu.memory_space<hbm>>, %arg8: memref<2048xi32, #tpu.memory_space<vmem>>, %arg9: memref<2048xf32, #tpu.memory_space<vmem>>, %arg10: memref<2048xi32, #tpu.memory_space<vmem>>, %arg11: memref<2048xf32, #tpu.memory_space<vmem>>, %arg12: memref<1408xi32, #tpu.memory_space<vmem>>, %arg13: memref<1408xi32, #tpu.memory_space<vmem>>, %arg14: memref<1408xi32, #tpu.memory_space<vmem>>, %arg15: memref<1408xf32, #tpu.memory_space<vmem>>) attributes {dimension_semantics = [#tpu.dimension_semantics<core_parallel>, #tpu.dimension_semantics<subcore_parallel>], iteration_bounds = array<i64: 2, 16>, scalar_prefetch = 0 : i64, scratch_operands = 8 : i64, tpu.core_type = #tpu.core_type<sc_vector_subcore>, window_params = [{transform_indices = #map}, {transform_indices = #map}, {transform_indices = #map}, {transform_indices = #map}, {transform_indices = #map}, {transform_indices = #map}]} {
    %mul3A = arith.constant 2 : i32
    %mul3A_0 = arith.muli %arg1, %mul3A : i32
    %add3A = arith.addi %mul3A_0, %arg0 : i32
    %mul3A_1 = arith.constant 2048 : i32
    %mul3A_2 = arith.muli %add3A, %mul3A_1 : i32
    %mul3A_3 = arith.constant 1408 : i32
    %mul3A_4 = arith.muli %add3A, %mul3A_3 : i32
    "tpu.region"() ({
      %run_scoped3A = tpu.sem_alloc : memref<!tpu.dma_semaphore, #tpu.memory_space<semaphore_mem>>
      %dma_start3A = tpu.memref_slice %arg2[%mul3A_2] : memref<65536xi32, #tpu.memory_space<hbm>> -> memref<2048xi32, #tpu.memory_space<hbm>>
      %dma_start3A_20 = tpu.memref_slice %arg2[%mul3A_2] : memref<65536xi32, #tpu.memory_space<hbm>> -> memref<2048xi32, #tpu.memory_space<hbm>>
      tpu.enqueue_dma source(%dma_start3A_20 : memref<2048xi32, #tpu.memory_space<hbm>>) target(%arg8 : memref<2048xi32, #tpu.memory_space<vmem>>) target_semaphore(%run_scoped3A : memref<!tpu.dma_semaphore, #tpu.memory_space<semaphore_mem>>)
      %dma_wait3A = tpu.memref_slice %arg2[%mul3A_2] : memref<65536xi32, #tpu.memory_space<hbm>> -> memref<2048xi32, #tpu.memory_space<hbm>>
      %dma_wait3A_21 = tpu.memref_slice %arg2[%mul3A_2] : memref<65536xi32, #tpu.memory_space<hbm>> -> memref<2048xi32, #tpu.memory_space<hbm>>
      tpu.wait_dma2 semaphore(%run_scoped3A : memref<!tpu.dma_semaphore, #tpu.memory_space<semaphore_mem>>) src(%dma_wait3A_21 : memref<2048xi32, #tpu.memory_space<hbm>>) dst(%arg8 : memref<2048xi32, #tpu.memory_space<vmem>>)
      tpu.yield
    }) : () -> ()
    "tpu.region"() ({
      %run_scoped3A = tpu.sem_alloc : memref<!tpu.dma_semaphore, #tpu.memory_space<semaphore_mem>>
      %dma_start3A = tpu.memref_slice %arg3[%mul3A_2] : memref<65536xf32, #tpu.memory_space<hbm>> -> memref<2048xf32, #tpu.memory_space<hbm>>
      %dma_start3A_20 = tpu.memref_slice %arg3[%mul3A_2] : memref<65536xf32, #tpu.memory_space<hbm>> -> memref<2048xf32, #tpu.memory_space<hbm>>
      tpu.enqueue_dma source(%dma_start3A_20 : memref<2048xf32, #tpu.memory_space<hbm>>) target(%arg9 : memref<2048xf32, #tpu.memory_space<vmem>>) target_semaphore(%run_scoped3A : memref<!tpu.dma_semaphore, #tpu.memory_space<semaphore_mem>>)
      %dma_wait3A = tpu.memref_slice %arg3[%mul3A_2] : memref<65536xf32, #tpu.memory_space<hbm>> -> memref<2048xf32, #tpu.memory_space<hbm>>
      %dma_wait3A_21 = tpu.memref_slice %arg3[%mul3A_2] : memref<65536xf32, #tpu.memory_space<hbm>> -> memref<2048xf32, #tpu.memory_space<hbm>>
      tpu.wait_dma2 semaphore(%run_scoped3A : memref<!tpu.dma_semaphore, #tpu.memory_space<semaphore_mem>>) src(%dma_wait3A_21 : memref<2048xf32, #tpu.memory_space<hbm>>) dst(%arg9 : memref<2048xf32, #tpu.memory_space<vmem>>)
      tpu.yield
    }) : () -> ()
    "tpu.region"() ({
      %run_scoped3A = tpu.sem_alloc : memref<!tpu.dma_semaphore, #tpu.memory_space<semaphore_mem>>
      tpu.enqueue_dma source(%arg4 : memref<1408xi32, #tpu.memory_space<hbm>>) target(%arg12 : memref<1408xi32, #tpu.memory_space<vmem>>) target_semaphore(%run_scoped3A : memref<!tpu.dma_semaphore, #tpu.memory_space<semaphore_mem>>)
      tpu.wait_dma2 semaphore(%run_scoped3A : memref<!tpu.dma_semaphore, #tpu.memory_space<semaphore_mem>>) src(%arg4 : memref<1408xi32, #tpu.memory_space<hbm>>) dst(%arg12 : memref<1408xi32, #tpu.memory_space<vmem>>)
      tpu.yield
    }) : () -> ()
    "tpu.region"() ({
      %run_scoped3A = tpu.sem_alloc : memref<!tpu.dma_semaphore, #tpu.memory_space<semaphore_mem>>
      tpu.enqueue_dma source(%arg5 : memref<1408xi32, #tpu.memory_space<hbm>>) target(%arg13 : memref<1408xi32, #tpu.memory_space<vmem>>) target_semaphore(%run_scoped3A : memref<!tpu.dma_semaphore, #tpu.memory_space<semaphore_mem>>)
      tpu.wait_dma2 semaphore(%run_scoped3A : memref<!tpu.dma_semaphore, #tpu.memory_space<semaphore_mem>>) src(%arg5 : memref<1408xi32, #tpu.memory_space<hbm>>) dst(%arg13 : memref<1408xi32, #tpu.memory_space<vmem>>)
      tpu.yield
    }) : () -> ()
    %scan3A = arith.constant 0 : i32
    %scan3A_5 = arith.constant 0 : i32
    %scan3A_6 = arith.constant 128 : i32
    %scan3A_7 = arith.addi %scan3A_5, %scan3A_6 : i32
    %scan3A_8 = arith.constant 1 : i32
    scf.for %scan3A_20 = %scan3A_5 to %scan3A_7 step %scan3A_8  : i32 {
      %mul3A_21 = arith.constant 16 : i32
      %mul3A_22 = arith.muli %scan3A_20, %mul3A_21 : i32
      %multiple_of3A = tpu.assume_multiple %mul3A_22, 16 : i32
      %get3A = arith.index_cast %multiple_of3A : i32 to index
      %get3A_23 = tpu.vector_load %arg8[%get3A] {strides = array<i32>} : memref<2048xi32, #tpu.memory_space<vmem>>, vector<16xi32>,
      %get3A_24 = arith.index_cast %multiple_of3A : i32 to index
      %get3A_25 = tpu.vector_load %arg9[%get3A_24] {strides = array<i32>} : memref<2048xf32, #tpu.memory_space<vmem>>, vector<16xf32>,
      %masked_sort3A = arith.constant dense<true> : vector<16xi1>
      %masked_sort3A_26 = arith.constant -2147483648 : i32
      %masked_sort3A_27 = vector.broadcast %masked_sort3A_26 : i32 to vector<16xi32>
      %masked_sort3A_28 = arith.xori %get3A_23, %masked_sort3A_27 : vector<16xi32>
      %masked_sort3A_29, %masked_sort3A_30, %masked_sort3A_31 = tpu.sort %masked_sort3A_28, %get3A_25 masked %masked_sort3A : (vector<16xi32>, vector<16xf32>, vector<16xi1>) -> (vector<16xi1>, vector<16xi32>, vector<16xf32>)
      %masked_sort3A_32 = arith.xori %masked_sort3A_30, %masked_sort3A_27 : vector<16xi32>
      %swap3A = arith.index_cast %multiple_of3A : i32 to index
      %swap3A_33 = tpu.vector_load %arg10[%swap3A] {strides = array<i32>} : memref<2048xi32, #tpu.memory_space<vmem>>, vector<16xi32>,
      tpu.vector_store %arg10[%swap3A], %masked_sort3A_32 {strides = array<i32>} : memref<2048xi32, #tpu.memory_space<vmem>>, vector<16xi32>,
      %swap3A_34 = arith.index_cast %multiple_of3A : i32 to index
      %swap3A_35 = tpu.vector_load %arg11[%swap3A_34] {strides = array<i32>} : memref<2048xf32, #tpu.memory_space<vmem>>, vector<16xf32>,
      tpu.vector_store %arg11[%swap3A_34], %masked_sort3A_31 {strides = array<i32>} : memref<2048xf32, #tpu.memory_space<vmem>>, vector<16xf32>,
    }
    %scan3A_9 = arith.constant 128 : i32
    %mul3A_10 = arith.constant 128 : i32
    %mul3A_11 = arith.muli %add3A, %mul3A_10 : i32
    %scan3A_12 = arith.constant 0 : i32
    %scan3A_13 = arith.constant 0 : i32
    %scan3A_14 = arith.constant 88 : i32
    %scan3A_15 = arith.addi %scan3A_13, %scan3A_14 : i32
    %scan3A_16 = arith.constant 1 : i32
    scf.for %scan3A_20 = %scan3A_13 to %scan3A_15 step %scan3A_16  : i32 {
      %mul3A_21 = arith.constant 16 : i32
      %mul3A_22 = arith.muli %scan3A_20, %mul3A_21 : i32
      %multiple_of3A = tpu.assume_multiple %mul3A_22, 16 : i32
      %get3A = arith.index_cast %multiple_of3A : i32 to index
      %get3A_23 = tpu.vector_load %arg12[%get3A] {strides = array<i32>} : memref<1408xi32, #tpu.memory_space<vmem>>, vector<16xi32>,
      %gather3A = tpu.vector_load_idx %arg10[%get3A_23] : memref<2048xi32, #tpu.memory_space<vmem>>[vector<16xi32>], vector<16xi32>,
      %swap3A = arith.index_cast %multiple_of3A : i32 to index
      %swap3A_24 = tpu.vector_load %arg14[%swap3A] {strides = array<i32>} : memref<1408xi32, #tpu.memory_space<vmem>>, vector<16xi32>,
      tpu.vector_store %arg14[%swap3A], %gather3A {strides = array<i32>} : memref<1408xi32, #tpu.memory_space<vmem>>, vector<16xi32>,
      %gather3A_25 = tpu.vector_load_idx %arg11[%get3A_23] : memref<2048xf32, #tpu.memory_space<vmem>>[vector<16xi32>], vector<16xf32>,
      %swap3A_26 = arith.index_cast %multiple_of3A : i32 to index
      %swap3A_27 = tpu.vector_load %arg15[%swap3A_26] {strides = array<i32>} : memref<1408xf32, #tpu.memory_space<vmem>>, vector<16xf32>,
      tpu.vector_store %arg15[%swap3A_26], %gather3A_25 {strides = array<i32>} : memref<1408xf32, #tpu.memory_space<vmem>>, vector<16xf32>,
      %get3A_28 = arith.index_cast %multiple_of3A : i32 to index
      %get3A_29 = tpu.vector_load %arg13[%get3A_28] {strides = array<i32>} : memref<1408xi32, #tpu.memory_space<vmem>>, vector<16xi32>,
      %add3A_30 = vector.broadcast %mul3A_11 : i32 to vector<16xi32>
      %add3A_31 = arith.addi %get3A_29, %add3A_30 : vector<16xi32>
      %swap3A_32 = arith.index_cast %multiple_of3A : i32 to index
      %swap3A_33 = tpu.vector_load %arg13[%swap3A_32] {strides = array<i32>} : memref<1408xi32, #tpu.memory_space<vmem>>, vector<16xi32>,
      tpu.vector_store %arg13[%swap3A_32], %add3A_31 {strides = array<i32>} : memref<1408xi32, #tpu.memory_space<vmem>>, vector<16xi32>,
    }
    %scan3A_17 = arith.constant 88 : i32
    "tpu.region"() ({
      %run_scoped3A = tpu.sem_alloc : memref<!tpu.dma_semaphore, #tpu.memory_space<semaphore_mem>>
      %dma_start3A = tpu.memref_slice %arg6[%mul3A_4] : memref<90112xi32, #tpu.memory_space<hbm>> -> memref<1408xi32, #tpu.memory_space<hbm>>
      %dma_start3A_20 = tpu.memref_slice %arg6[%mul3A_4] : memref<90112xi32, #tpu.memory_space<hbm>> -> memref<1408xi32, #tpu.memory_space<hbm>>
      tpu.enqueue_dma source(%arg13 : memref<1408xi32, #tpu.memory_space<vmem>>) target(%dma_start3A_20 : memref<1408xi32, #tpu.memory_space<hbm>>) target_semaphore(%run_scoped3A : memref<!tpu.dma_semaphore, #tpu.memory_space<semaphore_mem>>)
      %dma_wait3A = tpu.memref_slice %arg6[%mul3A_4] : memref<90112xi32, #tpu.memory_space<hbm>> -> memref<1408xi32, #tpu.memory_space<hbm>>
      %dma_wait3A_21 = tpu.memref_slice %arg6[%mul3A_4] : memref<90112xi32, #tpu.memory_space<hbm>> -> memref<1408xi32, #tpu.memory_space<hbm>>
      tpu.wait_dma2 semaphore(%run_scoped3A : memref<!tpu.dma_semaphore, #tpu.memory_space<semaphore_mem>>) src(%arg13 : memref<1408xi32, #tpu.memory_space<vmem>>) dst(%dma_wait3A_21 : memref<1408xi32, #tpu.memory_space<hbm>>)
      tpu.yield
    }) : () -> ()
    %add3A_18 = arith.constant 45056 : i32
    %add3A_19 = arith.addi %add3A_18, %mul3A_4 : i32
    "tpu.region"() ({
      %run_scoped3A = tpu.sem_alloc : memref<!tpu.dma_semaphore, #tpu.memory_space<semaphore_mem>>
      %dma_start3A = tpu.memref_slice %arg6[%add3A_19] : memref<90112xi32, #tpu.memory_space<hbm>> -> memref<1408xi32, #tpu.memory_space<hbm>>
      %dma_start3A_20 = tpu.memref_slice %arg6[%add3A_19] : memref<90112xi32, #tpu.memory_space<hbm>> -> memref<1408xi32, #tpu.memory_space<hbm>>
      tpu.enqueue_dma source(%arg14 : memref<1408xi32, #tpu.memory_space<vmem>>) target(%dma_start3A_20 : memref<1408xi32, #tpu.memory_space<hbm>>) target_semaphore(%run_scoped3A : memref<!tpu.dma_semaphore, #tpu.memory_space<semaphore_mem>>)
      %dma_wait3A = tpu.memref_slice %arg6[%add3A_19] : memref<90112xi32, #tpu.memory_space<hbm>> -> memref<1408xi32, #tpu.memory_space<hbm>>
      %dma_wait3A_21 = tpu.memref_slice %arg6[%add3A_19] : memref<90112xi32, #tpu.memory_space<hbm>> -> memref<1408xi32, #tpu.memory_space<hbm>>
      tpu.wait_dma2 semaphore(%run_scoped3A : memref<!tpu.dma_semaphore, #tpu.memory_space<semaphore_mem>>) src(%arg14 : memref<1408xi32, #tpu.memory_space<vmem>>) dst(%dma_wait3A_21 : memref<1408xi32, #tpu.memory_space<hbm>>)
      tpu.yield
    }) : () -> ()
    "tpu.region"() ({
      %run_scoped3A = tpu.sem_alloc : memref<!tpu.dma_semaphore, #tpu.memory_space<semaphore_mem>>
      %dma_start3A = tpu.memref_slice %arg7[%mul3A_4] : memref<45056xf32, #tpu.memory_space<hbm>> -> memref<1408xf32, #tpu.memory_space<hbm>>
      %dma_start3A_20 = tpu.memref_slice %arg7[%mul3A_4] : memref<45056xf32, #tpu.memory_space<hbm>> -> memref<1408xf32, #tpu.memory_space<hbm>>
      tpu.enqueue_dma source(%arg15 : memref<1408xf32, #tpu.memory_space<vmem>>) target(%dma_start3A_20 : memref<1408xf32, #tpu.memory_space<hbm>>) target_semaphore(%run_scoped3A : memref<!tpu.dma_semaphore, #tpu.memory_space<semaphore_mem>>)
      %dma_wait3A = tpu.memref_slice %arg7[%mul3A_4] : memref<45056xf32, #tpu.memory_space<hbm>> -> memref<1408xf32, #tpu.memory_space<hbm>>
      %dma_wait3A_21 = tpu.memref_slice %arg7[%mul3A_4] : memref<45056xf32, #tpu.memory_space<hbm>> -> memref<1408xf32, #tpu.memory_space<hbm>>
      tpu.wait_dma2 semaphore(%run_scoped3A : memref<!tpu.dma_semaphore, #tpu.memory_space<semaphore_mem>>) src(%arg15 : memref<1408xf32, #tpu.memory_space<vmem>>) dst(%dma_wait3A_21 : memref<1408xf32, #tpu.memory_space<hbm>>)
      tpu.yield
    }) : () -> ()
    return
  }
}

module attributes {stable_mosaic.version = 14 : i64} {
  func.func @_topk_body(%arg0: i32, %arg1: memref<4096x64xf32, #tpu.memory_space<vmem>>, %arg2: memref<512x16xf32, #tpu.memory_space<vmem>>, %arg3: memref<512x16xi32, #tpu.memory_space<vmem>>, %arg4: memref<4096x64xf32, #tpu.memory_space<vmem>>) attributes {dimension_semantics = [#tpu.dimension_semantics<arbitrary>], iteration_bounds = array<i64: 8>, scalar_prefetch = 0 : i64, scratch_operands = 1 : i64, tpu.core_type = #tpu.core_type<tc>, window_params = [{pipeline_mode = #tpu.pipeline_mode<synchronous>, transform_indices = @transform_0, window_bounds = array<i64: 4096, 64>}, {transform_indices = @transform_1, window_bounds = array<i64: 512, 16>}, {transform_indices = @transform_2, window_bounds = array<i64: 512, 16>}]} {
    %eq3A = arith.constant 0 : i32
    %eq3A_0 = arith.cmpi eq, %arg0, %eq3A : i32
    %convert_element_type3A = arith.extui %eq3A_0 : i1 to i32
    %cond3A = arith.constant 0 : i32
    %cond3A_1 = arith.cmpi ne, %convert_element_type3A, %cond3A : i32
    scf.if %cond3A_1 {
      %get3A_184 = arith.constant 0 : index
      %get3A_185 = arith.constant 0 : index
      %get3A_186 = vector.load %arg1[%get3A_184, %get3A_185] : memref<4096x64xf32, #tpu.memory_space<vmem>>, vector<4096x64xf32>
      %mul3A_187 = arith.mulf %get3A_186, %get3A_186 : vector<4096x64xf32>
      %reduce_sum3A_188 = arith.constant dense<0.000000e+00> : vector<4096xf32>
      %reduce_sum3A_189 = vector.multi_reduction <add>, %mul3A_187, %reduce_sum3A_188 [1] : vector<4096x64xf32> to vector<4096xf32>
      %broadcast_in_dim3A_190 = vector.shape_cast %reduce_sum3A_189 : vector<4096xf32> to vector<4096x1xf32>
      %sqrt3A = math.sqrt %broadcast_in_dim3A_190 : vector<4096x1xf32>
      %jit3A_191 = arith.constant 9.99999997E-7 : f32
      %max3A = vector.broadcast %jit3A_191 : f32 to vector<4096x1xf32>
      %max3A_192 = arith.maximumf %max3A, %sqrt3A : vector<4096x1xf32>
      %div3A = vector.broadcast %max3A_192 : vector<4096x1xf32> to vector<4096x64xf32>
      %div3A_193 = arith.divf %get3A_186, %div3A : vector<4096x64xf32>
      %swap3A_194 = arith.constant 0 : index
      %swap3A_195 = arith.constant 0 : index
      %swap3A_196 = vector.load %arg4[%swap3A_194, %swap3A_195] : memref<4096x64xf32, #tpu.memory_space<vmem>>, vector<4096x64xf32>
      tpu.vector_store %arg4[%swap3A_194, %swap3A_195], %div3A_193 {strides = array<i32>} : memref<4096x64xf32, #tpu.memory_space<vmem>>, vector<4096x64xf32>,
    } else {
    }
    %get3A = arith.constant 0 : index
    %get3A_2 = arith.constant 0 : index
    %get3A_3 = vector.load %arg4[%get3A, %get3A_2] : memref<4096x64xf32, #tpu.memory_space<vmem>>, vector<4096x64xf32>
    %mul3A = arith.constant 512 : i32
    %mul3A_4 = arith.muli %arg0, %mul3A : i32
    %get3A_5 = arith.index_cast %mul3A_4 : i32 to index
    %get3A_6 = arith.constant 0 : index
    %get3A_7 = vector.load %arg4[%get3A_5, %get3A_6] : memref<4096x64xf32, #tpu.memory_space<vmem>>, vector<512x64xf32>
    %dot_general3A = arith.constant dense<0.000000e+00> : vector<512x4096xf32>
    %dot_general3A_8 = tpu.matmul %get3A_7, %get3A_3, %dot_general3A {dimension_numbers = #tpu.dot_dimension_numbers<[1], [1], [0], [0], [0, 0, 1, 0], [], []>, transpose_lhs_hint = false} : vector<512x64xf32>, vector<4096x64xf32>, vector<512x4096xf32> -> vector<512x4096xf32>
    %iota3A = tpu.iota {dimensions = array<i32: 1>} : vector<512x4096xi32>
    %convert_element_type3A_9 = arith.sitofp %iota3A : vector<512x4096xi32> to vector<512x4096xf32>
    %iota3A_10 = tpu.iota {dimensions = array<i32: 0>} : vector<512x1xi32>
    %mul3A_11 = arith.constant 512 : i32
    %mul3A_12 = arith.muli %arg0, %mul3A_11 : i32
    %add3A = vector.broadcast %mul3A_12 : i32 to vector<512x1xi32>
    %add3A_13 = arith.addi %iota3A_10, %add3A : vector<512x1xi32>
    %convert_element_type3A_14 = arith.sitofp %add3A_13 : vector<512x1xi32> to vector<512x1xf32>
    %mul3A_15 = arith.mulf %get3A_7, %get3A_7 : vector<512x64xf32>
    %reduce_sum3A = arith.constant dense<0.000000e+00> : vector<512xf32>
    %reduce_sum3A_16 = vector.multi_reduction <add>, %mul3A_15, %reduce_sum3A [1] : vector<512x64xf32> to vector<512xf32>
    %broadcast_in_dim3A = vector.shape_cast %reduce_sum3A_16 : vector<512xf32> to vector<512x1xf32>
    %eq3A_17 = vector.broadcast %convert_element_type3A_14 : vector<512x1xf32> to vector<512x4096xf32>
    %eq3A_18 = arith.cmpf oeq, %convert_element_type3A_9, %eq3A_17 : vector<512x4096xf32>
    %jit3A = arith.constant 0xFF800000 : f32
    %broadcast_in_dim3A_19 = vector.broadcast %jit3A : f32 to vector<512x4096xf32>
    %select_n3A = arith.select %eq3A_18, %broadcast_in_dim3A_19, %dot_general3A_8 : vector<512x4096xi1>, vector<512x4096xf32>
    %reduce_max3A = arith.constant dense<0xFF800000> : vector<512xf32>
    %reduce_max3A_20 = vector.multi_reduction <maximumf>, %select_n3A, %reduce_max3A [1] : vector<512x4096xf32> to vector<512xf32>
    %broadcast_in_dim3A_21 = vector.shape_cast %reduce_max3A_20 : vector<512xf32> to vector<512x1xf32>
    %eq3A_22 = vector.broadcast %broadcast_in_dim3A_21 : vector<512x1xf32> to vector<512x4096xf32>
    %eq3A_23 = arith.cmpf oeq, %select_n3A, %eq3A_22 : vector<512x4096xf32>
    %jit3A_24 = arith.constant 8.192000e+03 : f32
    %broadcast_in_dim3A_25 = vector.broadcast %jit3A_24 : f32 to vector<512x4096xf32>
    %select_n3A_26 = arith.select %eq3A_23, %convert_element_type3A_9, %broadcast_in_dim3A_25 : vector<512x4096xi1>, vector<512x4096xf32>
    %reduce_min3A = arith.constant dense<0x7F800000> : vector<512xf32>
    %reduce_min3A_27 = vector.multi_reduction <minimumf>, %select_n3A_26, %reduce_min3A [1] : vector<512x4096xf32> to vector<512xf32>
    %broadcast_in_dim3A_28 = vector.shape_cast %reduce_min3A_27 : vector<512xf32> to vector<512x1xf32>
    %eq3A_29 = vector.broadcast %broadcast_in_dim3A_28 : vector<512x1xf32> to vector<512x4096xf32>
    %eq3A_30 = arith.cmpf oeq, %convert_element_type3A_9, %eq3A_29 : vector<512x4096xf32>
    %jit3A_31 = arith.constant 0xFF800000 : f32
    %broadcast_in_dim3A_32 = vector.broadcast %jit3A_31 : f32 to vector<512x4096xf32>
    %select_n3A_33 = arith.select %eq3A_30, %broadcast_in_dim3A_32, %select_n3A : vector<512x4096xi1>, vector<512x4096xf32>
    %reduce_max3A_34 = arith.constant dense<0xFF800000> : vector<512xf32>
    %reduce_max3A_35 = vector.multi_reduction <maximumf>, %select_n3A_33, %reduce_max3A_34 [1] : vector<512x4096xf32> to vector<512xf32>
    %broadcast_in_dim3A_36 = vector.shape_cast %reduce_max3A_35 : vector<512xf32> to vector<512x1xf32>
    %eq3A_37 = vector.broadcast %broadcast_in_dim3A_36 : vector<512x1xf32> to vector<512x4096xf32>
    %eq3A_38 = arith.cmpf oeq, %select_n3A_33, %eq3A_37 : vector<512x4096xf32>
    %jit3A_39 = arith.constant 8.192000e+03 : f32
    %broadcast_in_dim3A_40 = vector.broadcast %jit3A_39 : f32 to vector<512x4096xf32>
    %select_n3A_41 = arith.select %eq3A_38, %convert_element_type3A_9, %broadcast_in_dim3A_40 : vector<512x4096xi1>, vector<512x4096xf32>
    %reduce_min3A_42 = arith.constant dense<0x7F800000> : vector<512xf32>
    %reduce_min3A_43 = vector.multi_reduction <minimumf>, %select_n3A_41, %reduce_min3A_42 [1] : vector<512x4096xf32> to vector<512xf32>
    %broadcast_in_dim3A_44 = vector.shape_cast %reduce_min3A_43 : vector<512xf32> to vector<512x1xf32>
    %eq3A_45 = vector.broadcast %broadcast_in_dim3A_44 : vector<512x1xf32> to vector<512x4096xf32>
    %eq3A_46 = arith.cmpf oeq, %convert_element_type3A_9, %eq3A_45 : vector<512x4096xf32>
    %jit3A_47 = arith.constant 0xFF800000 : f32
    %broadcast_in_dim3A_48 = vector.broadcast %jit3A_47 : f32 to vector<512x4096xf32>
    %select_n3A_49 = arith.select %eq3A_46, %broadcast_in_dim3A_48, %select_n3A_33 : vector<512x4096xi1>, vector<512x4096xf32>
    %reduce_max3A_50 = arith.constant dense<0xFF800000> : vector<512xf32>
    %reduce_max3A_51 = vector.multi_reduction <maximumf>, %select_n3A_49, %reduce_max3A_50 [1] : vector<512x4096xf32> to vector<512xf32>
    %broadcast_in_dim3A_52 = vector.shape_cast %reduce_max3A_51 : vector<512xf32> to vector<512x1xf32>
    %eq3A_53 = vector.broadcast %broadcast_in_dim3A_52 : vector<512x1xf32> to vector<512x4096xf32>
    %eq3A_54 = arith.cmpf oeq, %select_n3A_49, %eq3A_53 : vector<512x4096xf32>
    %jit3A_55 = arith.constant 8.192000e+03 : f32
    %broadcast_in_dim3A_56 = vector.broadcast %jit3A_55 : f32 to vector<512x4096xf32>
    %select_n3A_57 = arith.select %eq3A_54, %convert_element_type3A_9, %broadcast_in_dim3A_56 : vector<512x4096xi1>, vector<512x4096xf32>
    %reduce_min3A_58 = arith.constant dense<0x7F800000> : vector<512xf32>
    %reduce_min3A_59 = vector.multi_reduction <minimumf>, %select_n3A_57, %reduce_min3A_58 [1] : vector<512x4096xf32> to vector<512xf32>
    %broadcast_in_dim3A_60 = vector.shape_cast %reduce_min3A_59 : vector<512xf32> to vector<512x1xf32>
    %eq3A_61 = vector.broadcast %broadcast_in_dim3A_60 : vector<512x1xf32> to vector<512x4096xf32>
    %eq3A_62 = arith.cmpf oeq, %convert_element_type3A_9, %eq3A_61 : vector<512x4096xf32>
    %jit3A_63 = arith.constant 0xFF800000 : f32
    %broadcast_in_dim3A_64 = vector.broadcast %jit3A_63 : f32 to vector<512x4096xf32>
    %select_n3A_65 = arith.select %eq3A_62, %broadcast_in_dim3A_64, %select_n3A_49 : vector<512x4096xi1>, vector<512x4096xf32>
    %reduce_max3A_66 = arith.constant dense<0xFF800000> : vector<512xf32>
    %reduce_max3A_67 = vector.multi_reduction <maximumf>, %select_n3A_65, %reduce_max3A_66 [1] : vector<512x4096xf32> to vector<512xf32>
    %broadcast_in_dim3A_68 = vector.shape_cast %reduce_max3A_67 : vector<512xf32> to vector<512x1xf32>
    %eq3A_69 = vector.broadcast %broadcast_in_dim3A_68 : vector<512x1xf32> to vector<512x4096xf32>
    %eq3A_70 = arith.cmpf oeq, %select_n3A_65, %eq3A_69 : vector<512x4096xf32>
    %jit3A_71 = arith.constant 8.192000e+03 : f32
    %broadcast_in_dim3A_72 = vector.broadcast %jit3A_71 : f32 to vector<512x4096xf32>
    %select_n3A_73 = arith.select %eq3A_70, %convert_element_type3A_9, %broadcast_in_dim3A_72 : vector<512x4096xi1>, vector<512x4096xf32>
    %reduce_min3A_74 = arith.constant dense<0x7F800000> : vector<512xf32>
    %reduce_min3A_75 = vector.multi_reduction <minimumf>, %select_n3A_73, %reduce_min3A_74 [1] : vector<512x4096xf32> to vector<512xf32>
    %broadcast_in_dim3A_76 = vector.shape_cast %reduce_min3A_75 : vector<512xf32> to vector<512x1xf32>
    %eq3A_77 = vector.broadcast %broadcast_in_dim3A_76 : vector<512x1xf32> to vector<512x4096xf32>
    %eq3A_78 = arith.cmpf oeq, %convert_element_type3A_9, %eq3A_77 : vector<512x4096xf32>
    %jit3A_79 = arith.constant 0xFF800000 : f32
    %broadcast_in_dim3A_80 = vector.broadcast %jit3A_79 : f32 to vector<512x4096xf32>
    %select_n3A_81 = arith.select %eq3A_78, %broadcast_in_dim3A_80, %select_n3A_65 : vector<512x4096xi1>, vector<512x4096xf32>
    %reduce_max3A_82 = arith.constant dense<0xFF800000> : vector<512xf32>
    %reduce_max3A_83 = vector.multi_reduction <maximumf>, %select_n3A_81, %reduce_max3A_82 [1] : vector<512x4096xf32> to vector<512xf32>
    %broadcast_in_dim3A_84 = vector.shape_cast %reduce_max3A_83 : vector<512xf32> to vector<512x1xf32>
    %eq3A_85 = vector.broadcast %broadcast_in_dim3A_84 : vector<512x1xf32> to vector<512x4096xf32>
    %eq3A_86 = arith.cmpf oeq, %select_n3A_81, %eq3A_85 : vector<512x4096xf32>
    %jit3A_87 = arith.constant 8.192000e+03 : f32
    %broadcast_in_dim3A_88 = vector.broadcast %jit3A_87 : f32 to vector<512x4096xf32>
    %select_n3A_89 = arith.select %eq3A_86, %convert_element_type3A_9, %broadcast_in_dim3A_88 : vector<512x4096xi1>, vector<512x4096xf32>
    %reduce_min3A_90 = arith.constant dense<0x7F800000> : vector<512xf32>
    %reduce_min3A_91 = vector.multi_reduction <minimumf>, %select_n3A_89, %reduce_min3A_90 [1] : vector<512x4096xf32> to vector<512xf32>
    %broadcast_in_dim3A_92 = vector.shape_cast %reduce_min3A_91 : vector<512xf32> to vector<512x1xf32>
    %eq3A_93 = vector.broadcast %broadcast_in_dim3A_92 : vector<512x1xf32> to vector<512x4096xf32>
    %eq3A_94 = arith.cmpf oeq, %convert_element_type3A_9, %eq3A_93 : vector<512x4096xf32>
    %jit3A_95 = arith.constant 0xFF800000 : f32
    %broadcast_in_dim3A_96 = vector.broadcast %jit3A_95 : f32 to vector<512x4096xf32>
    %select_n3A_97 = arith.select %eq3A_94, %broadcast_in_dim3A_96, %select_n3A_81 : vector<512x4096xi1>, vector<512x4096xf32>
    %reduce_max3A_98 = arith.constant dense<0xFF800000> : vector<512xf32>
    %reduce_max3A_99 = vector.multi_reduction <maximumf>, %select_n3A_97, %reduce_max3A_98 [1] : vector<512x4096xf32> to vector<512xf32>
    %broadcast_in_dim3A_100 = vector.shape_cast %reduce_max3A_99 : vector<512xf32> to vector<512x1xf32>
    %eq3A_101 = vector.broadcast %broadcast_in_dim3A_100 : vector<512x1xf32> to vector<512x4096xf32>
    %eq3A_102 = arith.cmpf oeq, %select_n3A_97, %eq3A_101 : vector<512x4096xf32>
    %jit3A_103 = arith.constant 8.192000e+03 : f32
    %broadcast_in_dim3A_104 = vector.broadcast %jit3A_103 : f32 to vector<512x4096xf32>
    %select_n3A_105 = arith.select %eq3A_102, %convert_element_type3A_9, %broadcast_in_dim3A_104 : vector<512x4096xi1>, vector<512x4096xf32>
    %reduce_min3A_106 = arith.constant dense<0x7F800000> : vector<512xf32>
    %reduce_min3A_107 = vector.multi_reduction <minimumf>, %select_n3A_105, %reduce_min3A_106 [1] : vector<512x4096xf32> to vector<512xf32>
    %broadcast_in_dim3A_108 = vector.shape_cast %reduce_min3A_107 : vector<512xf32> to vector<512x1xf32>
    %eq3A_109 = vector.broadcast %broadcast_in_dim3A_108 : vector<512x1xf32> to vector<512x4096xf32>
    %eq3A_110 = arith.cmpf oeq, %convert_element_type3A_9, %eq3A_109 : vector<512x4096xf32>
    %jit3A_111 = arith.constant 0xFF800000 : f32
    %broadcast_in_dim3A_112 = vector.broadcast %jit3A_111 : f32 to vector<512x4096xf32>
    %select_n3A_113 = arith.select %eq3A_110, %broadcast_in_dim3A_112, %select_n3A_97 : vector<512x4096xi1>, vector<512x4096xf32>
    %reduce_max3A_114 = arith.constant dense<0xFF800000> : vector<512xf32>
    %reduce_max3A_115 = vector.multi_reduction <maximumf>, %select_n3A_113, %reduce_max3A_114 [1] : vector<512x4096xf32> to vector<512xf32>
    %broadcast_in_dim3A_116 = vector.shape_cast %reduce_max3A_115 : vector<512xf32> to vector<512x1xf32>
    %eq3A_117 = vector.broadcast %broadcast_in_dim3A_116 : vector<512x1xf32> to vector<512x4096xf32>
    %eq3A_118 = arith.cmpf oeq, %select_n3A_113, %eq3A_117 : vector<512x4096xf32>
    %jit3A_119 = arith.constant 8.192000e+03 : f32
    %broadcast_in_dim3A_120 = vector.broadcast %jit3A_119 : f32 to vector<512x4096xf32>
    %select_n3A_121 = arith.select %eq3A_118, %convert_element_type3A_9, %broadcast_in_dim3A_120 : vector<512x4096xi1>, vector<512x4096xf32>
    %reduce_min3A_122 = arith.constant dense<0x7F800000> : vector<512xf32>
    %reduce_min3A_123 = vector.multi_reduction <minimumf>, %select_n3A_121, %reduce_min3A_122 [1] : vector<512x4096xf32> to vector<512xf32>
    %broadcast_in_dim3A_124 = vector.shape_cast %reduce_min3A_123 : vector<512xf32> to vector<512x1xf32>
    %eq3A_125 = vector.broadcast %broadcast_in_dim3A_124 : vector<512x1xf32> to vector<512x4096xf32>
    %eq3A_126 = arith.cmpf oeq, %convert_element_type3A_9, %eq3A_125 : vector<512x4096xf32>
    %jit3A_127 = arith.constant 0xFF800000 : f32
    %broadcast_in_dim3A_128 = vector.broadcast %jit3A_127 : f32 to vector<512x4096xf32>
    %select_n3A_129 = arith.select %eq3A_126, %broadcast_in_dim3A_128, %select_n3A_113 : vector<512x4096xi1>, vector<512x4096xf32>
    %reduce_max3A_130 = arith.constant dense<0xFF800000> : vector<512xf32>
    %reduce_max3A_131 = vector.multi_reduction <maximumf>, %select_n3A_129, %reduce_max3A_130 [1] : vector<512x4096xf32> to vector<512xf32>
    %broadcast_in_dim3A_132 = vector.shape_cast %reduce_max3A_131 : vector<512xf32> to vector<512x1xf32>
    %eq3A_133 = vector.broadcast %broadcast_in_dim3A_132 : vector<512x1xf32> to vector<512x4096xf32>
    %eq3A_134 = arith.cmpf oeq, %select_n3A_129, %eq3A_133 : vector<512x4096xf32>
    %jit3A_135 = arith.constant 8.192000e+03 : f32
    %broadcast_in_dim3A_136 = vector.broadcast %jit3A_135 : f32 to vector<512x4096xf32>
    %select_n3A_137 = arith.select %eq3A_134, %convert_element_type3A_9, %broadcast_in_dim3A_136 : vector<512x4096xi1>, vector<512x4096xf32>
    %reduce_min3A_138 = arith.constant dense<0x7F800000> : vector<512xf32>
    %reduce_min3A_139 = vector.multi_reduction <minimumf>, %select_n3A_137, %reduce_min3A_138 [1] : vector<512x4096xf32> to vector<512xf32>
    %broadcast_in_dim3A_140 = vector.shape_cast %reduce_min3A_139 : vector<512xf32> to vector<512x1xf32>
    %eq3A_141 = vector.broadcast %broadcast_in_dim3A_140 : vector<512x1xf32> to vector<512x4096xf32>
    %eq3A_142 = arith.cmpf oeq, %convert_element_type3A_9, %eq3A_141 : vector<512x4096xf32>
    %jit3A_143 = arith.constant 0xFF800000 : f32
    %broadcast_in_dim3A_144 = vector.broadcast %jit3A_143 : f32 to vector<512x4096xf32>
    %select_n3A_145 = arith.select %eq3A_142, %broadcast_in_dim3A_144, %select_n3A_129 : vector<512x4096xi1>, vector<512x4096xf32>
    %reduce_max3A_146 = arith.constant dense<0xFF800000> : vector<512xf32>
    %reduce_max3A_147 = vector.multi_reduction <maximumf>, %select_n3A_145, %reduce_max3A_146 [1] : vector<512x4096xf32> to vector<512xf32>
    %broadcast_in_dim3A_148 = vector.shape_cast %reduce_max3A_147 : vector<512xf32> to vector<512x1xf32>
    %eq3A_149 = vector.broadcast %broadcast_in_dim3A_148 : vector<512x1xf32> to vector<512x4096xf32>
    %eq3A_150 = arith.cmpf oeq, %select_n3A_145, %eq3A_149 : vector<512x4096xf32>
    %jit3A_151 = arith.constant 8.192000e+03 : f32
    %broadcast_in_dim3A_152 = vector.broadcast %jit3A_151 : f32 to vector<512x4096xf32>
    %select_n3A_153 = arith.select %eq3A_150, %convert_element_type3A_9, %broadcast_in_dim3A_152 : vector<512x4096xi1>, vector<512x4096xf32>
    %reduce_min3A_154 = arith.constant dense<0x7F800000> : vector<512xf32>
    %reduce_min3A_155 = vector.multi_reduction <minimumf>, %select_n3A_153, %reduce_min3A_154 [1] : vector<512x4096xf32> to vector<512xf32>
    %broadcast_in_dim3A_156 = vector.shape_cast %reduce_min3A_155 : vector<512xf32> to vector<512x1xf32>
    %eq3A_157 = vector.broadcast %broadcast_in_dim3A_156 : vector<512x1xf32> to vector<512x4096xf32>
    %eq3A_158 = arith.cmpf oeq, %convert_element_type3A_9, %eq3A_157 : vector<512x4096xf32>
    %jit3A_159 = arith.constant 0xFF800000 : f32
    %broadcast_in_dim3A_160 = vector.broadcast %jit3A_159 : f32 to vector<512x4096xf32>
    %select_n3A_161 = arith.select %eq3A_158, %broadcast_in_dim3A_160, %select_n3A_145 : vector<512x4096xi1>, vector<512x4096xf32>
    %reduce_max3A_162 = arith.constant dense<0xFF800000> : vector<512xf32>
    %reduce_max3A_163 = vector.multi_reduction <maximumf>, %select_n3A_161, %reduce_max3A_162 [1] : vector<512x4096xf32> to vector<512xf32>
    %broadcast_in_dim3A_164 = vector.shape_cast %reduce_max3A_163 : vector<512xf32> to vector<512x1xf32>
    %eq3A_165 = vector.broadcast %broadcast_in_dim3A_164 : vector<512x1xf32> to vector<512x4096xf32>
    %eq3A_166 = arith.cmpf oeq, %select_n3A_161, %eq3A_165 : vector<512x4096xf32>
    %jit3A_167 = arith.constant 8.192000e+03 : f32
    %broadcast_in_dim3A_168 = vector.broadcast %jit3A_167 : f32 to vector<512x4096xf32>
    %select_n3A_169 = arith.select %eq3A_166, %convert_element_type3A_9, %broadcast_in_dim3A_168 : vector<512x4096xi1>, vector<512x4096xf32>
    %reduce_min3A_170 = arith.constant dense<0x7F800000> : vector<512xf32>
    %reduce_min3A_171 = vector.multi_reduction <minimumf>, %select_n3A_169, %reduce_min3A_170 [1] : vector<512x4096xf32> to vector<512xf32>
    %broadcast_in_dim3A_172 = vector.shape_cast %reduce_min3A_171 : vector<512xf32> to vector<512x1xf32>
    %broadcast_in_dim3A_173 = arith.constant 0.000000e+00 : f32
    %broadcast_in_dim3A_174 = vector.broadcast %broadcast_in_dim3A_173 : f32 to vector<512x1xf32>
    %broadcast_in_dim3A_175 = arith.constant 1.07374182E+9 : f32
    %broadcast_in_dim3A_176 = vector.broadcast %broadcast_in_dim3A_175 : f32 to vector<512x1xf32>
    %concatenate3A = tpu.concatenate %broadcast_in_dim3A, %broadcast_in_dim3A_21, %broadcast_in_dim3A_36, %broadcast_in_dim3A_52, %broadcast_in_dim3A_68, %broadcast_in_dim3A_84, %broadcast_in_dim3A_100, %broadcast_in_dim3A_116, %broadcast_in_dim3A_132, %broadcast_in_dim3A_148, %broadcast_in_dim3A_164, %broadcast_in_dim3A_174, %broadcast_in_dim3A_174, %broadcast_in_dim3A_174, %broadcast_in_dim3A_174, %broadcast_in_dim3A_174 in 1 : vector<512x1xf32>, vector<512x1xf32>, vector<512x1xf32>, vector<512x1xf32>, vector<512x1xf32>, vector<512x1xf32>, vector<512x1xf32>, vector<512x1xf32>, vector<512x1xf32>, vector<512x1xf32>, vector<512x1xf32>, vector<512x1xf32>, vector<512x1xf32>, vector<512x1xf32>, vector<512x1xf32>, vector<512x1xf32> -> vector<512x16xf32>
    %swap3A = arith.constant 0 : index
    %swap3A_177 = arith.constant 0 : index
    %swap3A_178 = vector.load %arg2[%swap3A, %swap3A_177] : memref<512x16xf32, #tpu.memory_space<vmem>>, vector<512x16xf32>
    tpu.vector_store %arg2[%swap3A, %swap3A_177], %concatenate3A {strides = array<i32>} : memref<512x16xf32, #tpu.memory_space<vmem>>, vector<512x16xf32>,
    %concatenate3A_179 = tpu.concatenate %convert_element_type3A_14, %broadcast_in_dim3A_28, %broadcast_in_dim3A_44, %broadcast_in_dim3A_60, %broadcast_in_dim3A_76, %broadcast_in_dim3A_92, %broadcast_in_dim3A_108, %broadcast_in_dim3A_124, %broadcast_in_dim3A_140, %broadcast_in_dim3A_156, %broadcast_in_dim3A_172, %broadcast_in_dim3A_176, %broadcast_in_dim3A_176, %broadcast_in_dim3A_176, %broadcast_in_dim3A_176, %broadcast_in_dim3A_176 in 1 : vector<512x1xf32>, vector<512x1xf32>, vector<512x1xf32>, vector<512x1xf32>, vector<512x1xf32>, vector<512x1xf32>, vector<512x1xf32>, vector<512x1xf32>, vector<512x1xf32>, vector<512x1xf32>, vector<512x1xf32>, vector<512x1xf32>, vector<512x1xf32>, vector<512x1xf32>, vector<512x1xf32>, vector<512x1xf32> -> vector<512x16xf32>
    %convert_element_type3A_180 = arith.fptosi %concatenate3A_179 : vector<512x16xf32> to vector<512x16xi32>
    %swap3A_181 = arith.constant 0 : index
    %swap3A_182 = arith.constant 0 : index
    %swap3A_183 = vector.load %arg3[%swap3A_181, %swap3A_182] : memref<512x16xi32, #tpu.memory_space<vmem>>, vector<512x16xi32>
    tpu.vector_store %arg3[%swap3A_181, %swap3A_182], %convert_element_type3A_180 {strides = array<i32>} : memref<512x16xi32, #tpu.memory_space<vmem>>, vector<512x16xi32>,
    return
  }
  func.func @transform_0(%arg0: i32) -> (i32, i32) {
    %c0_i32 = arith.constant 0 : i32
    %c0_i32_0 = arith.constant 0 : i32
    %c0_i32_1 = arith.constant 0 : i32
    return %c0_i32, %c0_i32_0 : i32, i32
  }
  func.func @transform_1(%arg0: i32) -> (i32, i32) {
    %c0_i32 = arith.constant 0 : i32
    %c0_i32_0 = arith.constant 0 : i32
    return %arg0, %c0_i32 : i32, i32
  }
  func.func @transform_2(%arg0: i32) -> (i32, i32) {
    %c0_i32 = arith.constant 0 : i32
    %c0_i32_0 = arith.constant 0 : i32
    return %arg0, %c0_i32 : i32, i32
  }
}

</mosaic_0001>

<sc_bundles>
// kernel: kernel.4.cloned.1.call-start
scs
__scs_entry_jumppad:
0x0: {  	(pc) =	sbr.rel $0x88, $3  }
0x1: {  	(tag) =	ssettag $0x0;
	lr =	simm.s32 $0x1  }
0x2: {  	[smem:$0x3FA0] =	sst lr;
	_ =	strace $0xD0000000  }
0x3: {  	_ = 	snop  }
0x4: {  	_ = 	snop  }
0x5: {  	_ = 	snop  }
0x6: {  	_ = 	snop  }
0x7: {  	_ = 	snop  }
__scs_overlays_trampoline_lowered:
0x8: {  	[smem:$0x3FAF] =	sst s0  }
0x9: {  	[smem:$0x3FB0] =	sst s1  }
0xa: {  	[smem:$0x3FB1] =	sst s2  }
0xb: {  	[smem:$0x3FB2] =	sst s3  }
0xc: {  	[smem:$0x3FB3] =	sst s4  }
0xd: {  	[smem:$0x3FB4] =	sst s5  }
0xe: {  	[smem:$0x3FB5] =	sst s6  }
0xf: {  	[smem:$0x3FB6] =	sst s7  }
0x10: {  	[smem:$0x3FB7] =	sst s8  }
0x11: {  	[smem:$0x3FB8] =	sst s9;
	s0 =	simm.s32 @!p0 $0x0  }
0x12: {  	s1 =	sld [smem:$0x3F9E];
	s0 =	simm.s32 @p0 $0x1  }
0x13: {  	[smem:$0x3FB9] =	sst s0;
	s0 =	simm.s32 @!p1 $0x0  }
0x14: {  	s2 =	sld [smem:$0x3F9D];
	s0 =	simm.s32 @p1 $0x1  }
0x15: {  	[smem:$0x3FBA] =	sst s0;
	s0 =	simm.s32 @!p2 $0x0  }
0x16: {  	s3 =	sld [smem:$0x3FDB];
	s0 =	simm.s32 @p2 $0x1  }
0x17: {  	s4 =	simm.s32 $0x1BF5;
	[smem:$0x3FBC] =	sst s0  }
0x18: {  	s0 =	sld [smem:$0x3F9F];
	_ =	swait.ge [sflag:s4], $0x0  }
0x19: {  	s7 =	sld [smem:$0x3FA0]  }
0x1a: {  	s8 =	sadd.s32 $0xFFFFE003, lr  }
0x1b: {  	s9 =	sadd.s32 $0xFFFFFEF7, lr;
	s5 =	simm.s32 $0xFFFFFFFF;
	p2 =	slt.u32 s8, $0xFFFFF086  }
0x1c: {  	p1 =	slt.u32 s9, $0xF7A;
	s5 =	simm.s32 @!p2 $0x0  }
0x1d: {  	s5 =	simm.s32 @p1 $0x1;
	p0 =	seq.s32 s7, s2  }
0x1e: {  	s7 =	smul.u32 @!p0 $0xF7A, s2;
	p2 =	seq.s32 @!p0 s5, $0x0  }
0x1f: {  	s9 =	smul.u32 $0xF7A, s1;
	s8 =	simm.s32 @!p0 $0x1BF5;
	p2 =	por !p2, p0  }
0x20: {  	[sflag:s8] =	ssyncset.s32 @!p0 $0xFFFFF086;
	s6 =	sadd.s32 @!p0 s3, s7;
	s7 =	simm.s32 @!p0 $0x108  }
0x21: {  	s3 =	sadd.s32 s3, s9;
	s6 =	sadd.s32 @!p0 $0x88, s6;
	s7 =	simm.s32 @p2 $0x1082  }
0x22: {  	[simem:s7], [sflag:s8] =	dma.local @!p0 [hbm:s6], $0xF7A  }
0x23: {  	s9 =	sor.u32 $0xD0000000, s2;
	s6 =	simm.s32 $0x108;
	_ =	swait.ge @!p0 [sflag:s8], $0x0  }
0x24: {  	s3 =	sadd.s32 $0x88, s3;
	s6 =	simm.s32 @!p1 $0x1082;
	[sflag:s4] =	ssyncset.s32 $0xFFFFF086  }
0x25: {  	[simem:s6], [sflag:s4] =	dma.local [hbm:s3], $0xF7A  }
0x26: {  	[smem:$0x3FA0] =	sst s1;
	(tag) =	ssettag s2;
	_ =	strace s9  }
0x27: {  	s1 =	sld [smem:$0x3FB0]  }
0x28: {  	s2 =	sld [smem:$0x3FB1]  }
0x29: {  	s4 =	sld [smem:$0x3FB3]  }
0x2a: {  	p0 =	seq.s32 s5, $0x0;
	s5 =	sld [smem:$0x3FB4]  }
0x2b: {  	s6 =	sld [smem:$0x3FB5]  }
0x2c: {  	s7 =	sld [smem:$0x3FB6]  }
0x2d: {  	s3 =	simm.s32 $0x108;
	s8 =	sld [smem:$0x3FB7]  }
0x2e: {  	s3 =	simm.s32 @!p0 $0x1082;
	s9 =	sld [smem:$0x3FB8]  }
0x2f: {  	lr =	sadd.s32 s0, s3;
	s0 =	sld [smem:$0x3FAF]  }
0x30: {  	s3 =	sld [smem:$0x3FB2]  }
0x31: {  	[smem:$0x3FBB] =	sst s10  }
0x32: {  	s10 =	sld [smem:$0x3FB9];
	_ =	sdelay $0x3  }
0x33: {  	p0 =	seq.s32 s10, $0x1;
	s10 =	sld [smem:$0x3FBB];
	_ =	sdelay $0x3  }
0x34: {  	[smem:$0x3FBB] =	sst s10  }
0x35: {  	s10 =	sld [smem:$0x3FBA];
	_ =	sdelay $0x3  }
0x36: {  	p1 =	seq.s32 s10, $0x1;
	s10 =	sld [smem:$0x3FBB];
	_ =	sdelay $0x3  }
0x37: {  	[smem:$0x3FBB] =	sst s10  }
0x38: {  	s10 =	sld [smem:$0x3FBC]  }
0x39: {  	_ = 	snop;
	(pc) =	sbr.ind lr, $3  }
0x3a: {  	_ = 	snop  }
0x3b: {  	_ = 	snop  }
0x3c: {  	p2 =	seq.s32 s10, $0x1;
	s10 =	sld [smem:$0x3FBB]  }
0x3d: {  	_ =	shalt  }
0x3e: {  	_ =	shalt  }
0x3f: {  	_ =	shalt  }
0x40: {  	_ =	shalt  }
0x41: {  	_ =	shalt  }
0x42: {  	_ =	shalt  }
0x43: {  	_ =	shalt  }
0x44: {  	_ =	shalt  }
0x45: {  	_ =	shalt  }
0x46: {  	_ =	shalt  }
0x47: {  	_ =	shalt  }
0x48: {  	_ =	shalt  }
0x49: {  	_ =	shalt  }
0x4a: {  	_ =	shalt  }
0x4b: {  	_ =	shalt  }
0x4c: {  	_ =	shalt  }
0x4d: {  	_ =	shalt  }
0x4e: {  	_ =	shalt  }
0x4f: {  	_ =	shalt  }
0x50: {  	_ =	shalt  }
0x51: {  	_ =	shalt  }
0x52: {  	_ =	shalt  }
0x53: {  	_ =	shalt  }
0x54: {  	_ =	shalt  }
0x55: {  	_ =	shalt  }
0x56: {  	_ =	shalt  }
0x57: {  	_ =	shalt  }
0x58: {  	_ =	shalt  }
0x59: {  	_ =	shalt  }
0x5a: {  	_ =	shalt  }
0x5b: {  	_ =	shalt  }
0x5c: {  	_ =	shalt  }
0x5d: {  	_ =	shalt  }
0x5e: {  	_ =	shalt  }
0x5f: {  	_ =	shalt  }
0x60: {  	_ =	shalt  }
0x61: {  	_ =	shalt  }
0x62: {  	_ =	shalt  }
0x63: {  	_ =	shalt  }
0x64: {  	_ =	shalt  }
0x65: {  	_ =	shalt  }
0x66: {  	_ =	shalt  }
0x67: {  	_ =	shalt  }
0x68: {  	_ =	shalt  }
0x69: {  	_ =	shalt  }
0x6a: {  	_ =	shalt  }
0x6b: {  	_ =	shalt  }
0x6c: {  	_ =	shalt  }
0x6d: {  	_ =	shalt  }
0x6e: {  	_ =	shalt  }
0x6f: {  	_ =	shalt  }
0x70: {  	_ =	shalt  }
0x71: {  	_ =	shalt  }
0x72: {  	_ =	shalt  }
0x73: {  	_ =	shalt  }
0x74: {  	_ =	shalt  }
0x75: {  	_ =	shalt  }
0x76: {  	_ =	shalt  }
0x77: {  	_ =	shalt  }
0x78: {  	_ =	shalt  }
0x79: {  	_ =	shalt  }
0x7a: {  	_ =	shalt  }
0x7b: {  	_ =	shalt  }
0x7c: {  	_ =	shalt  }
0x7d: {  	_ =	shalt  }
0x7e: {  	_ =	shalt  }
0x7f: {  	_ =	shalt  }
0x80: {  	_ =	shalt  }
0x81: {  	_ =	shalt  }
0x82: {  	_ =	shalt  }
0x83: {  	_ =	shalt  }
0x84: {  	_ =	shalt  }
0x85: {  	_ =	shalt  }
0x86: {  	_ =	shalt  }
0x87: {  	_ =	shalt  }
.Lfunc_end0:
.L_simem_size_0:
called_computation_lowered:
.L_overlay_start_0:
0x88: {  	s2 =	sld [smem:$0x3FD9]  }
0x89: {  	s3 =	sld [smem:$0x3FFE];
	_ =	sdelay $0x1  }
0x8a: {  	s1 =	srdreg.scid  }
0x8b: {  	s0 =	sand.u32 $0x1, s1  }
0x8c: {  	s14 =	sshll.u32 s0, $0xA;
	s2 =	sadd.s32 s3, s2  }
0x8d: {  	s2 =	sadd.s32 s2, s14  }
0x8e: {  	[smem:$0x3FC7] =	sst s2  }
0x8f: {  	_ = 	snop  }
0x90: {  	s2 =	sld [smem:$0x3FD0];
	_ =	sdelay $0x2  }
0x91: {  	s15 =	simm.s32 $0xA;
	s4 =	simm.s32 $0x10  }
0x92: {  	[smem:s4], [sflag:s15] =	dma.local [hbm:s2], $0x1  }
0x93: {  	_ =	swait.eq [sflag:s15], $0x1  }
0x94: {  	[sflag:s15] =	ssyncset.done $0x0  }
0x95: {  	s16 =	sld [smem:$0x10];
	[sflag:s15] =	ssyncadd.s32 $0xFFFFFFFF  }
0x96: {  	s17 =	sld [smem:$0x11];
	(tm) =	ssettm $0x1  }
0x97: {  	s18 =	sld [smem:$0x3FFB];
	_ =	sdelay $0x3  }
0x98: {  	_ =	strace s18  }
0x99: {  	s4 =	sld [smem:$0x3FFC];
	_ =	sdelay $0x3  }
0x9a: {  	_ =	strace s4  }
0x9b: {  	s4 =	sld [smem:$0x3FFD];
	_ =	sdelay $0x3  }
0x9c: {  	_ =	strace s4  }
0x9d: {  	_ =	strace $0x8FFFFFFF  }
0x9e: {  	s19 =	sld [smem:$0x3FDB];
	_ =	sdelay $0x1  }
0x9f: {  	s5 =	simm.s32 $_scs_section_size  }
0xa0: {  	s6 =	simm.s32 $_size__tile_overlayer_lowered;
	s7 =	simm.s32 $_tile_overlayer_lowered  }
0xa1: {  	s22 =	simm.s32 $0x1BFF;
	s21 =	sshll.u32 s7, $0x1;
	s4 =	sadd.s32 s5, s19  }
0xa2: {  	s8 =	simm.s32 $0x0;
	s20 =	sshll.u32 s6, $0x1;
	s6 =	sadd.s32 s21, s4  }
0xa3: {  	[timem:s8], [sflag:s22] =	dma.local [hbm:s6], s20  }
0xa4: {  	_ =	swait.ge [sflag:s22], s20  }
0xa5: {  	s5 =	ssub.s32 $0x0, s20;
	[sflag:s22] =	ssyncset.done $0x0  }
0xa6: {  	[sflag:s22] =	ssyncadd.s32 s5;
	_ =	sdelay $0x1  }
0xa7: {  	s23 =	simm.s32 $0x1B8B  }
0xa8: {  	_ =	swait.ge [sflag:s23], $0x1  }
0xa9: {  	[sflag:s23] =	ssyncset.done $0x0  }
0xaa: {  	s25 =	simm.s32 $0x1B8E;
	s24 =	sld [smem:$0x3FFE];
	[sflag:s23] =	ssyncadd.s32 $0xFFFFFFFF  }
0xab: {  	s26 =	simm.s32 $execute0_lowered;
	[smem:$0x3FD2] =	sst s25  }
0xac: {  	s6 =	sshll.u32 s26, $0x1;
	_ =	strace $0x80000046;
	[dreg:$0x1] =	wrdreg $0xFFFFFFFF  }
0xad: {  	s28 =	simm.s32 $_size_execute0_lowered;
	s4 =	sadd.s32 s4, s6;
	[dreg:$0x0] =	wrdreg $0x0  }
0xae: {  	s6 =	sshll.u32 s28, $0x1;
	[dreg:$0x2] =	wrdreg s4  }
0xaf: {  	[dreg:$0x3] =	wrdreg s6  }
0xb0: {  	[dreg:$0x4] =	wrdreg $0xC0  }
0xb1: {  	_ =	task [dreg:s8], $0x5FFFF  }
0xb2: {  	[dreg:$0x1] =	wrdreg $0xFFFFFFFF  }
0xb3: {  	[dreg:$0x0] =	wrdreg $0x60  }
0xb4: {  	[dreg:$0x2] =	wrdreg s16  }
0xb5: {  	[dreg:$0x3] =	wrdreg s24  }
0xb6: {  	[dreg:$0x4] =	wrdreg s17  }
0xb7: {  	[dreg:$0x5] =	wrdreg $0x9  }
0xb8: {  	_ =	task.clear_ibuf [dreg:s8], $0x6FFFF;
	_ =	strace $0x90000046  }
0xb9: {  	s29 =	simm.s32 $0x9;
	_ =	strace $0x80000048  }
0xba: {  	_ =	swait.ge [sflag:s29], $0x1  }
0xbb: {  	[sflag:s29] =	ssyncadd.s32 $0xFFFFFFFF  }
0xbc: {  	_ =	strace $0x90000048  }
0xbd: {  	_ =	sfence  }
0xbe: {  	s30 =	sld [smem:$0x0];
	_ =	sdelay $0x2  }
0xbf: {  	s31 =	sshll.u32 s1, $0xD;
	s1 =	sshrl.u32 s1, $0x2  }
0xc0: {  	s3 =	sand.u32 $0x4000, s31;
	s1 =	sadd.s32 s1, s30  }
0xc1: {  	s0 =	sor.u32 s3, s0;
	s1 =	sshll.u32 s1, $0x11  }
0xc2: {  	s0 =	sor.u32 s1, s0  }
0xc3: {  	s0 =	sadd.s32 $0x8F2B, s0  }
0xc4: {  	[sflag:s0] =	ssyncadd.remote.s32 $0x1  }
0xc5: {  	_ =	sfence.sel $0xFFFF  }
0xc6: {  	[dreg:$0x0] =	wrdreg $0xFFFFFFFF;
	(pc) =	sbr.abs _section_cstart, $3  }
0xc7: {  	[dreg:$0x1] =	wrdreg $0xFFFFFFFF  }
0xc8: {  	_ =	task.clear_ibuf [dreg:s8], $0x2FFFF;
	_ =	strace $0x9FFFFFFF  }
0xc9: {  	(tm) =	ssettm $0x7FFFFFFF  }
tec
execute0_lowered:
.L_overlay_start_1:
0x0: {  	(tag) =	ssettag $0x1  }
0x1: {  	s5 =	rddreg [dreg:$0x0]  }
0x2: {  	s6 =	rddreg [dreg:$0x1]  }
0x3: {  	s9 =	rddreg [dreg:$0x2]  }
0x4: {  	s0 =	rddreg [dreg:$0x3];
	s3 =	srdreg.scid  }
0x5: {  	s1 =	stileid.u32;
	s2 =	simm.s32 $0x0;
	s15 =	simm.s32 $0x1000  }
0x6: {  	s16 =	simm.s32 $0x1800;
	s18 =	simm.s32 $0x3080;
	s19 =	simm.s32 $0x0  }
0x7: {  	s4 =	sand.u32 $0x1, s3;
	s31 =	sshll.u32 s1, $0x1;
	[smem:$0x7FF] =	sst s2  }
0x8: {  	s3 =	sadd.s32 $0xC00, s6;
	s7 =	sor.u32 s4, s31;
	_ =	strace $0x80000047  }
0x9: {  	s12 =	ssub.s32 $0x2, s4;
	s4 =	sadd.s32 $0xE00, s6;
	s8 =	sshll.u32 s7, $0x8  }
0xa: {  	s10 =	smul.u32 $0x580, s7;
	s13 =	sshrl.u32 s12, $0x1;
	s17 =	sshll.u32 s7, $0x7  }
0xb: {  	s11 =	sadd.s32 s8, s6;
	s12 =	ssub.s32 s12, s13;
	s5 =	sadd.s32 s5, s8  }
0xc: {  	s13 =	simm.s32 $0x2000;
	v0 =	vmov s17;
	s17 =	simm.s32 $0x2B00;
	s10 =	sshrl.u32 s10, $0x3  }
0xd: {  	s14 =	sadd.s32 s10, s6;
	s6 =	sadd.s32 $0x1000, s11;
	s9 =	sadd.s32 s9, s10  }
0xe: {  	s10 =	smax.u32 s12, $0x1;
	s11 =	simm.s32 $0x1;
	s12 =	simm.s32 $0x800  }
0xf: {  	s7 =	sadd.s32 $0x3000, s14;
	s8 =	sadd.s32 $0x4600, s14;
	s14 =	simm.s32 $0x2580  }
.LBB2_1:
0x10: {  	[tilespmem:s2], [sflag:$0x1] =	stream.linear.gather [hbm4b:s5+s2], $0x800, $0x38;
	[tilespmem:$0x3600] =	vst v63  }
0x11: {  	_ =	swait.ge [sflag:s11], $0x800  }
0x12: {  	[sflag:s11] =	ssyncset.done $0x0  }
0x13: {  	[sflag:s11] =	ssyncadd.s32 $0xFFFFF800  }
0x14: {  	[tilespmem:s12], [sflag:$0x1] =	stream.linear.gather [hbm4b:s6+s2], $0x800, $0x38;
	[tilespmem:$0x3600] =	vst v63  }
0x15: {  	_ =	swait.ge [sflag:s11], $0x800  }
0x16: {  	[sflag:s11] =	ssyncset.done $0x0  }
0x17: {  	[sflag:s11] =	ssyncadd.s32 $0xFFFFF800  }
0x18: {  	[tilespmem:s13], [sflag:$0x1] =	stream.linear.gather [hbm4b:s3+s2], $0x580, $0x38;
	[tilespmem:$0x3600] =	vst v63  }
0x19: {  	_ =	swait.ge [sflag:s11], $0x580  }
0x1a: {  	[sflag:s11] =	ssyncset.done $0x0  }
0x1b: {  	[sflag:s11] =	ssyncadd.s32 $0xFFFFFA80  }
0x1c: {  	[tilespmem:s14], [sflag:$0x1] =	stream.linear.gather [hbm4b:s4+s2], $0x580, $0x38;
	[tilespmem:$0x3600] =	vst v63  }
0x1d: {  	_ =	swait.ge [sflag:s11], $0x580  }
0x1e: {  	[sflag:s11] =	ssyncset.done $0x0  }
0x1f: {  	s22 =	simm.s32 $0x0;
	[sflag:s11] =	ssyncadd.s32 $0xFFFFFA80  }
0x20: {  	v1 =	vld [tilespmem:s22+$0x0]  }
0x21: {  	s20 =	simm.s32 $0x10;
	v2 =	vld [tilespmem:s22+$0x800]  }
0x22: {  	v3 =	vld [tilespmem:s20+$0x0]  }
0x23: {  	v4 =	vld [tilespmem:s20+$0x800];
	_ =	sdelay $0x1  }
0x24: {  	v1 =	vxor.u32 $0x80000000, v1  }
0x25: {  	(xrf1) =	vsort.ascd.msk.u32 $0xffff, v1, v2  }
0x26: {  	v2 =	vxor.u32 $0x80000000, v3  }
0x27: {  	(xrf1) =	vsort.ascd.msk.u32 $0xffff, v2, v4;
	_ =	sdelay $0x2  }
0x28: {  	s21 =	simm.s32 $0x20  }
0x29: {  	v1 =	vld [tilespmem:s21+$0x0]  }
0x2a: {  	v2 =	vld [tilespmem:s21+$0x800];
	_ =	sdelay $0x2  }
0x2b: {  	s23 =	simm.s32 $0xC0  }
.LBB2_2:
0x2c: {  	s24 =	sshra.s32 s23, $0x2;
	p0 =	sne.s32 s23, $0x1FC0;
	s23 =	sadd.s32 $0x40, s23;
	v3 =	vxor.u32 $0x80000000, v1  }
.Ltmp0:
0x2d: {  	v1 =	vld [tilespmem:s24+$0x0];
	(xrf1) =	vsort.ascd.msk.u32 $0xffff, v3, v2;
	(pc) =	sbr.rel @p0 .LBB2_2-.Ltmp0, $4  }
0x2e: {  	v2 =	vld [tilespmem:s24+$0x800]  }
0x2f: {  	v3, v4, _ =	vpop (xrf1)  }
0x30: {  	v3 =	vxor.u32 $0x80000000, v3;
	[tilespmem:s22+$0x1800] =	vst v4  }
0x31: {  	[tilespmem:s22+$0x1000] =	vst v3;
	s22 =	smov.u32 s20;
	s20 =	smov.u32 s21;
	s21 =	smov.u32 s24  }
0x32: {  	v1 =	vxor.u32 $0x80000000, v1  }
0x33: {  	(xrf1) =	vsort.ascd.msk.u32 $0xffff, v1, v2;
	_ =	sdelay $0x5  }
0x34: {  	v1, v2, _ =	vpop (xrf1)  }
0x35: {  	v1 =	vxor.u32 $0x80000000, v1;
	_ =	sdelay $0x1  }
0x36: {  	[tilespmem:s22+$0x1800] =	vst v2  }
0x37: {  	[tilespmem:s22+$0x1000] =	vst v1;
	v1, v2, _ =	vpop (xrf1)  }
0x38: {  	v1 =	vxor.u32 $0x80000000, v1;
	_ =	sdelay $0x1  }
0x39: {  	[tilespmem:s20+$0x1800] =	vst v2  }
0x3a: {  	[tilespmem:s20+$0x1000] =	vst v1;
	v1, v2, _ =	vpop (xrf1)  }
0x3b: {  	v1 =	vxor.u32 $0x80000000, v1;
	[tilespmem:s21+$0x1800] =	vst v2  }
0x3c: {  	s20 =	simm.s32 $0x0;
	[tilespmem:s21+$0x1000] =	vst v1  }
0x3d: {  	v1 =	vld [tilespmem:s20+$0x2000];
	_ =	sdelay $0x6  }
0x3e: {  	v3 =	vld [tilespmem:s20+$0x2580]  }
0x3f: {  	v2 =	vld.idx.msk [tilespmem:v1+s15+$0x0], $0xffff;
	_ =	sdelay $0x3  }
0x40: {  	s22 =	simm.s32 $0x80;
	s21 =	simm.s32 $0x10  }
.LBB2_4:
0x41: {  	p0 =	sne.s32 s22, $0x15C0;
	v4 =	vld [tilespmem:s21+$0x2000];
	[tilespmem:s20+$0x2B00] =	vst v2;
	v2 =	vadd.s32 v0, v3  }
0x42: {  	v3 =	vld.idx.msk [tilespmem:v1+s16+$0x0], $0xffff;
	[tilespmem:s20+$0x2580] =	vst v2;
	_ =	sdelay $0x3  }
0x43: {  	v1 =	vmov v4;
	_ =	sdelay $0x1  }
0x44: {  	[tilespmem:s20+$0x3080] =	vst v3;
	s20 =	smov.u32 s21  }
0x45: {  	v2 =	vld.idx.msk [tilespmem:v4+s15+$0x0], $0xffff  }
.Ltmp1:
0x46: {  	v3 =	vld [tilespmem:s20+$0x2580];
	(pc) =	sbr.rel @p0 .LBB2_4-.Ltmp1, $2  }
0x47: {  	_ =	sdelay $0x2  }
0x48: {  	s21 =	sshra.s32 s22, $0x2;
	s22 =	sadd.s32 $0x40, s22  }
0x49: {  	_ =	sdelay $0x1  }
0x4a: {  	v4 =	vld [tilespmem:s21+$0x2000]  }
0x4b: {  	[tilespmem:s20+$0x2B00] =	vst v2  }
0x4c: {  	v1 =	vld.idx.msk [tilespmem:v1+s16+$0x0], $0xffff;
	_ =	sdelay $0x2  }
0x4d: {  	v2 =	vadd.s32 v0, v3  }
0x4e: {  	[tilespmem:s20+$0x2580] =	vst v2  }
0x4f: {  	[tilespmem:s20+$0x3080] =	vst v1  }
0x50: {  	v1 =	vld.idx.msk [tilespmem:v4+s15+$0x0], $0xffff;
	_ =	sdelay $0x3  }
0x51: {  	v2 =	vld [tilespmem:s21+$0x2580]  }
0x52: {  	[tilespmem:s21+$0x2B00] =	vst v1  }
0x53: {  	v1 =	vld.idx.msk [tilespmem:v4+s16+$0x0], $0xffff;
	_ =	sdelay $0x2  }
0x54: {  	v2 =	vadd.s32 v0, v2  }
0x55: {  	[tilespmem:s21+$0x2580] =	vst v2  }
0x56: {  	[tilespmem:s21+$0x3080] =	vst v1  }
0x57: {  	[hbm4b:s7+s2] =	stream.linear.scatter [tilespmem:s14], [sflag:$0x1], $0x580, $0x38;
	[tilespmem:$0x3600] =	vst v63  }
0x58: {  	_ =	swait.ge [sflag:s11], $0x580  }
0x59: {  	[sflag:s11] =	ssyncset.done $0x0  }
0x5a: {  	[sflag:s11] =	ssyncadd.s32 $0xFFFFFA80  }
0x5b: {  	[hbm4b:s8+s2] =	stream.linear.scatter [tilespmem:s17], [sflag:$0x1], $0x580, $0x38;
	[tilespmem:$0x3600] =	vst v63  }
0x5c: {  	s19 =	sadd.s32 $0x1, s19;
	_ =	swait.ge [sflag:s11], $0x580  }
0x5d: {  	p0 =	sne.s32 s19, s10;
	[sflag:s11] =	ssyncset.done $0x0  }
.Ltmp2:
0x5e: {  	[sflag:s11] =	ssyncadd.s32 $0xFFFFFA80;
	(pc) =	sbr.rel @p0 .LBB2_1-.Ltmp2, $4  }
0x5f: {  	[hbm4b:s9+s2] =	stream.linear.scatter [tilespmem:s18], [sflag:$0x1], $0x580, $0x38;
	[tilespmem:$0x3600] =	vst v63  }
0x60: {  	_ =	swait.ge [sflag:s11], $0x580  }
0x61: {  	[sflag:s11] =	ssyncset.done $0x0  }
0x62: {  	[sflag:s11] =	ssyncadd.s32 $0xFFFFFA80  }
0x63: {  	_ =	sfence.sel $0x180000  }
0x64: {  	[bflag:$0x0] =	sbarrier.arrive $0xFFFF  }
0x65: {  	p0 =	sne.s32 s1, $0x0;
	_ =	strace $0x90000047  }
0x66: {  	s0 =	sadd.s32 @!p0 $0x100000, s0;
	[bflag:$0x2] =	sbarrier.arrive $0xFFFF  }
0x67: {  	[sflag:s0] =	ssyncadd.tile.s32 @!p0 $0x1;
	_ =	shalt  }
.Lfunc_end2:
_tile_overlayer_lowered:
.L_overlay_start_2:
0x68: {  	(tag) =	ssettag $0x2  }
0x69: {  	s0 =	rddreg [dreg:$0x0];
	s2 =	stileid.u32  }
0x6a: {  	s1 =	rddreg [dreg:$0x1];
	p0 =	sne.s32 s2, $0x0  }
0x6b: {  	s3 =	rddreg [dreg:$0x2];
	[bflag:$0x3] =	sbarrier.arrive $0xFFFF;
	s2 =	simm.s32 @!p0 $0x1C01  }
0x6c: {  	[timem:s3], [sflag:s2] =	dma.local @!p0 [hbm:s0], s1  }
0x6d: {  	s0 =	simm.s32 @!p0 $0x1  }
0x6e: {  	_ =	swait.ge @!p0 [sflag:s0], s1  }
0x6f: {  	s1 =	ssub.s32 @!p0 $0x0, s1;
	[sflag:s0] =	ssyncset.done @!p0 $0x0  }
0x70: {  	[sflag:s0] =	ssyncadd.s32 @!p0 s1  }
0x71: {  	[bflag:$0x3] =	sbarrier.arrive $0xFFFF  }
0x72: {  	_ =	shalt  }

</sc_bundles>
